<compile_context>
chip_gen: v7x
topology: tpu7x:2x2x1
jax: 0.10.2.dev20260603
libtpu: 0.0.44.dev20260713+nightly
codegen_flags: <defaults>
</compile_context>

<pallas_src>
import functools

import jax
import jax.numpy as jnp
from jax import lax
from jax.experimental import pallas as pl
from jax.experimental.pallas import tpu as pltpu
from jax.experimental.pallas import tpu_sc as plsc

N_NODES = 10000
N_EDGES = 320000
D_FEAT = 128

NC = 2
NS = 16
CHUNK = 128
SLAB = 40
K = 80
KS = K // SLAB
E_PAD = NC * NS * K * CHUNK
ROWS_PER_TILE = 632
N_PAD = NS * ROWS_PER_TILE
N_DUMMY = N_PAD - N_NODES


def _sc_scatter(x, src_p, dst_p, zer):
    mesh = plsc.VectorSubcoreMesh(
        core_axis_name="c", subcore_axis_name="s", num_cores=NC, num_subcores=NS
    )

    @functools.partial(
        pl.kernel,
        out_type=jax.ShapeDtypeStruct((NC, N_PAD, D_FEAT), jnp.float32),
        mesh=mesh,
        scratch_types=[
            pltpu.VMEM((SLAB, CHUNK), jnp.int32),
            pltpu.VMEM((SLAB, CHUNK), jnp.int32),
            pltpu.VMEM((CHUNK, D_FEAT), jnp.float32),
            pltpu.VMEM((CHUNK, D_FEAT), jnp.float32),
            pltpu.VMEM_SHARED((N_PAD, D_FEAT), jnp.float32),
            pltpu.SemaphoreType.DMA,
            pltpu.SemaphoreType.DMA,
            pltpu.SemaphoreType.DMA,
        ],
    )
    def k(x_hbm, src_hbm, dst_hbm, zer_hbm, out_hbm,
          src_v, dst_v, ra, rb, acc, sg, ssa, ssb):
        cid = lax.axis_index("c")
        sid = lax.axis_index("s")
        rbase = sid * ROWS_PER_TILE
        half = SLAB // 2
        pltpu.sync_copy(src_hbm.at[cid, sid, 0], src_v)
        pltpu.sync_copy(dst_hbm.at[cid, sid, 0], dst_v)
        pltpu.sync_copy(zer_hbm, acc.at[pl.ds(rbase, ROWS_PER_TILE)])
        plsc.subcore_barrier()

        def body(t, carry):
            r = t % half
            slab = t // half

            @pl.when((r == 0) & (t > 0))
            def _():
                pltpu.make_async_copy(ra, acc.at[dst_v.at[0]], ssa).wait()
                pltpu.make_async_copy(rb, acc.at[dst_v.at[1]], ssb).wait()
                pltpu.sync_copy(src_hbm.at[cid, sid, slab], src_v)
                pltpu.sync_copy(dst_hbm.at[cid, sid, slab], dst_v)

            @pl.when(r != 0)
            def _():
                pltpu.make_async_copy(ra, acc.at[dst_v.at[0]], ssa).wait()

            pltpu.async_copy(x_hbm.at[src_v.at[2 * r]], ra, sg).wait()
            pltpu.async_copy(ra, acc.at[dst_v.at[2 * r]], ssa, add=True)

            @pl.when(r != 0)
            def _():
                pltpu.make_async_copy(rb, acc.at[dst_v.at[1]], ssb).wait()

            pltpu.async_copy(x_hbm.at[src_v.at[2 * r + 1]], rb, sg).wait()
            pltpu.async_copy(rb, acc.at[dst_v.at[2 * r + 1]], ssb, add=True)
            return carry

        lax.fori_loop(0, K // 2, body, 0)
        pltpu.make_async_copy(ra, acc.at[dst_v.at[0]], ssa).wait()
        pltpu.make_async_copy(rb, acc.at[dst_v.at[1]], ssb).wait()
        plsc.subcore_barrier()
        pltpu.sync_copy(
            acc.at[pl.ds(rbase, ROWS_PER_TILE)],
            out_hbm.at[cid, pl.ds(rbase, ROWS_PER_TILE)],
        )

    return k(x, src_p, dst_p, zer)


def _combine(p):
    blk = 2000

    def body(a_ref, b_ref, o_ref):
        o_ref[...] = a_ref[0] + b_ref[0]

    return pl.pallas_call(
        body,
        grid=(N_NODES // blk,),
        in_specs=[
            pl.BlockSpec((1, blk, D_FEAT), lambda i: (0, i, 0)),
            pl.BlockSpec((1, blk, D_FEAT), lambda i: (1, i, 0)),
        ],
        out_specs=pl.BlockSpec((blk, D_FEAT), lambda i: (i, 0)),
        out_shape=jax.ShapeDtypeStruct((N_NODES, D_FEAT), jnp.float32),
    )(p, p)


def kernel(x, edge_index):
    src = edge_index[0].astype(jnp.int32)
    dst = edge_index[1].astype(jnp.int32)
    pad = E_PAD - N_EDGES
    pad_ar = jnp.arange(pad, dtype=jnp.int32)
    src_p = jnp.concatenate([src, pad_ar % N_NODES])
    dst_p = jnp.concatenate([dst, N_NODES + (pad_ar % N_DUMMY)])
    src_p = src_p.reshape(NC, NS, KS, SLAB, CHUNK)
    dst_p = dst_p.reshape(NC, NS, KS, SLAB, CHUNK)
    zer = jnp.zeros((ROWS_PER_TILE, D_FEAT), jnp.float32)
    partials = _sc_scatter(x, src_p, dst_p, zer)
    return _combine(partials)

# --- scband reference (transcript-rebuilt; emitter-appended) ---
"""Pipeline reference for scband-message-passing-90615220011123 (READ-ONLY COPY).

The authoritative reference and input builder live on the scoring server;
editing this copy changes nothing except your own understanding.
"""

import jax, jax.numpy as jnp
import numpy as np

N_NODES = 10000
N_EDGES = 320000
D_FEAT = 128


def setup_inputs(seed: int = 0) -> dict:
    key = jax.random.key(seed)
    k1, k2 = jax.random.split(key)
    x = jax.random.normal(k1, (N_NODES, D_FEAT), dtype=jnp.float32)
    edge_index = jax.random.randint(k2, (2, N_EDGES), 0, N_NODES, dtype=jnp.int64)
    return {"x": x, "edge_index": edge_index}


def reference(x, edge_index):
    # temp = torch.index_select(x, 0, edge_index[0])  -> gather source node features
    temp = jnp.take(x, edge_index[0], axis=0)
    # scatter-add messages into destination nodes (agg='add', self_loop=False
    # so output is freshly allocated; size = num dst nodes = N_NODES)
    out = jax.ops.segment_sum(temp, edge_index[1], num_segments=x.shape[0])
    return out

if __name__ == "__main__":
    import jax
    _d = setup_inputs()
    print(jax.jit(kernel)(*tuple(_d.values())))

</pallas_src>

<mosaic_0001>
#map = affine_map<(d0, d1) -> (0, 0)>
#map1 = affine_map<(d0, d1) -> (0, 0, 0, 0, 0)>
#map2 = affine_map<(d0, d1) -> (0, 0, 0)>
module attributes {stable_mosaic.version = 14 : i64} {
  func.func @k(%arg0: i32, %arg1: i32, %arg2: memref<10000x128xf32, #tpu.memory_space<hbm>>, %arg3: memref<2x16x2x40x128xi32, #tpu.memory_space<hbm>>, %arg4: memref<2x16x2x40x128xi32, #tpu.memory_space<hbm>>, %arg5: memref<632x128xf32, #tpu.memory_space<hbm>>, %arg6: memref<2x10112x128xf32, #tpu.memory_space<hbm>>, %arg7: memref<40x128xi32, #tpu.memory_space<vmem>>, %arg8: memref<40x128xi32, #tpu.memory_space<vmem>>, %arg9: memref<128x128xf32, #tpu.memory_space<vmem>>, %arg10: memref<128x128xf32, #tpu.memory_space<vmem>>, %arg11: memref<10112x128xf32, #tpu.memory_space<vmem_shared>>, %arg12: memref<!tpu.dma_semaphore, #tpu.memory_space<semaphore_mem>>, %arg13: memref<!tpu.dma_semaphore, #tpu.memory_space<semaphore_mem>>, %arg14: memref<!tpu.dma_semaphore, #tpu.memory_space<semaphore_mem>>) attributes {dimension_semantics = [#tpu.dimension_semantics<core_parallel>, #tpu.dimension_semantics<subcore_parallel>], iteration_bounds = array<i64: 2, 16>, scalar_prefetch = 0 : i64, scratch_operands = 8 : i64, tpu.core_type = #tpu.core_type<sc_vector_subcore>, window_params = [{transform_indices = #map}, {transform_indices = #map1}, {transform_indices = #map1}, {transform_indices = #map}, {transform_indices = #map2}]} {
    %mul3A = arith.constant 632 : i32
    %mul3A_0 = arith.muli %arg1, %mul3A : i32
    %run_scoped3A = arith.constant 0 : i32
    "tpu.region"() ({
      %run_scoped3A_21 = tpu.sem_alloc : memref<!tpu.dma_semaphore, #tpu.memory_space<semaphore_mem>>
      %dma_start3A = arith.constant 0 : i32
      %dma_start3A_22 = arith.constant 0 : i32
      %dma_start3A_23 = tpu.memref_slice %arg3[%arg0, %arg1, %run_scoped3A, %dma_start3A, %dma_start3A_22] : memref<2x16x2x40x128xi32, #tpu.memory_space<hbm>> -> memref<1x1x1x40x128xi32, #tpu.memory_space<hbm>>
      %dma_start3A_24 = tpu.memref_squeeze %dma_start3A_23 : memref<1x1x1x40x128xi32, #tpu.memory_space<hbm>> -> memref<40x128xi32, #tpu.memory_space<hbm>>
      %dma_start3A_25 = arith.constant 0 : i32
      %dma_start3A_26 = arith.constant 0 : i32
      %dma_start3A_27 = tpu.memref_slice %arg3[%arg0, %arg1, %run_scoped3A, %dma_start3A_25, %dma_start3A_26] : memref<2x16x2x40x128xi32, #tpu.memory_space<hbm>> -> memref<1x1x1x40x128xi32, #tpu.memory_space<hbm>>
      %dma_start3A_28 = tpu.memref_squeeze %dma_start3A_27 : memref<1x1x1x40x128xi32, #tpu.memory_space<hbm>> -> memref<40x128xi32, #tpu.memory_space<hbm>>
      tpu.enqueue_dma source(%dma_start3A_28 : memref<40x128xi32, #tpu.memory_space<hbm>>) target(%arg7 : memref<40x128xi32, #tpu.memory_space<vmem>>) target_semaphore(%run_scoped3A_21 : memref<!tpu.dma_semaphore, #tpu.memory_space<semaphore_mem>>)
      %dma_wait3A_29 = arith.constant 0 : i32
      %dma_wait3A_30 = arith.constant 0 : i32
      %dma_wait3A_31 = tpu.memref_slice %arg3[%arg0, %arg1, %run_scoped3A, %dma_wait3A_29, %dma_wait3A_30] : memref<2x16x2x40x128xi32, #tpu.memory_space<hbm>> -> memref<1x1x1x40x128xi32, #tpu.memory_space<hbm>>
      %dma_wait3A_32 = tpu.memref_squeeze %dma_wait3A_31 : memref<1x1x1x40x128xi32, #tpu.memory_space<hbm>> -> memref<40x128xi32, #tpu.memory_space<hbm>>
      %dma_wait3A_33 = arith.constant 0 : i32
      %dma_wait3A_34 = arith.constant 0 : i32
      %dma_wait3A_35 = tpu.memref_slice %arg3[%arg0, %arg1, %run_scoped3A, %dma_wait3A_33, %dma_wait3A_34] : memref<2x16x2x40x128xi32, #tpu.memory_space<hbm>> -> memref<1x1x1x40x128xi32, #tpu.memory_space<hbm>>
      %dma_wait3A_36 = tpu.memref_squeeze %dma_wait3A_35 : memref<1x1x1x40x128xi32, #tpu.memory_space<hbm>> -> memref<40x128xi32, #tpu.memory_space<hbm>>
      tpu.wait_dma2 semaphore(%run_scoped3A_21 : memref<!tpu.dma_semaphore, #tpu.memory_space<semaphore_mem>>) src(%dma_wait3A_36 : memref<40x128xi32, #tpu.memory_space<hbm>>) dst(%arg7 : memref<40x128xi32, #tpu.memory_space<vmem>>)
      tpu.yield
    }) : () -> ()
    %run_scoped3A_1 = arith.constant 0 : i32
    "tpu.region"() ({
      %run_scoped3A_21 = tpu.sem_alloc : memref<!tpu.dma_semaphore, #tpu.memory_space<semaphore_mem>>
      %dma_start3A = arith.constant 0 : i32
      %dma_start3A_22 = arith.constant 0 : i32
      %dma_start3A_23 = tpu.memref_slice %arg4[%arg0, %arg1, %run_scoped3A_1, %dma_start3A, %dma_start3A_22] : memref<2x16x2x40x128xi32, #tpu.memory_space<hbm>> -> memref<1x1x1x40x128xi32, #tpu.memory_space<hbm>>
      %dma_start3A_24 = tpu.memref_squeeze %dma_start3A_23 : memref<1x1x1x40x128xi32, #tpu.memory_space<hbm>> -> memref<40x128xi32, #tpu.memory_space<hbm>>
      %dma_start3A_25 = arith.constant 0 : i32
      %dma_start3A_26 = arith.constant 0 : i32
      %dma_start3A_27 = tpu.memref_slice %arg4[%arg0, %arg1, %run_scoped3A_1, %dma_start3A_25, %dma_start3A_26] : memref<2x16x2x40x128xi32, #tpu.memory_space<hbm>> -> memref<1x1x1x40x128xi32, #tpu.memory_space<hbm>>
      %dma_start3A_28 = tpu.memref_squeeze %dma_start3A_27 : memref<1x1x1x40x128xi32, #tpu.memory_space<hbm>> -> memref<40x128xi32, #tpu.memory_space<hbm>>
      tpu.enqueue_dma source(%dma_start3A_28 : memref<40x128xi32, #tpu.memory_space<hbm>>) target(%arg8 : memref<40x128xi32, #tpu.memory_space<vmem>>) target_semaphore(%run_scoped3A_21 : memref<!tpu.dma_semaphore, #tpu.memory_space<semaphore_mem>>)
      %dma_wait3A_29 = arith.constant 0 : i32
      %dma_wait3A_30 = arith.constant 0 : i32
      %dma_wait3A_31 = tpu.memref_slice %arg4[%arg0, %arg1, %run_scoped3A_1, %dma_wait3A_29, %dma_wait3A_30] : memref<2x16x2x40x128xi32, #tpu.memory_space<hbm>> -> memref<1x1x1x40x128xi32, #tpu.memory_space<hbm>>
      %dma_wait3A_32 = tpu.memref_squeeze %dma_wait3A_31 : memref<1x1x1x40x128xi32, #tpu.memory_space<hbm>> -> memref<40x128xi32, #tpu.memory_space<hbm>>
      %dma_wait3A_33 = arith.constant 0 : i32
      %dma_wait3A_34 = arith.constant 0 : i32
      %dma_wait3A_35 = tpu.memref_slice %arg4[%arg0, %arg1, %run_scoped3A_1, %dma_wait3A_33, %dma_wait3A_34] : memref<2x16x2x40x128xi32, #tpu.memory_space<hbm>> -> memref<1x1x1x40x128xi32, #tpu.memory_space<hbm>>
      %dma_wait3A_36 = tpu.memref_squeeze %dma_wait3A_35 : memref<1x1x1x40x128xi32, #tpu.memory_space<hbm>> -> memref<40x128xi32, #tpu.memory_space<hbm>>
      tpu.wait_dma2 semaphore(%run_scoped3A_21 : memref<!tpu.dma_semaphore, #tpu.memory_space<semaphore_mem>>) src(%dma_wait3A_36 : memref<40x128xi32, #tpu.memory_space<hbm>>) dst(%arg8 : memref<40x128xi32, #tpu.memory_space<vmem>>)
      tpu.yield
    }) : () -> ()
    "tpu.region"() ({
      %run_scoped3A_21 = tpu.sem_alloc : memref<!tpu.dma_semaphore, #tpu.memory_space<semaphore_mem>>
      %dma_start3A = arith.constant 0 : i32
      %dma_start3A_22 = tpu.memref_slice %arg11[%mul3A_0, %dma_start3A] : memref<10112x128xf32, #tpu.memory_space<vmem_shared>> -> memref<632x128xf32, #tpu.memory_space<vmem_shared>>
      tpu.enqueue_dma source(%arg5 : memref<632x128xf32, #tpu.memory_space<hbm>>) target(%dma_start3A_22 : memref<632x128xf32, #tpu.memory_space<vmem_shared>>) target_semaphore(%run_scoped3A_21 : memref<!tpu.dma_semaphore, #tpu.memory_space<semaphore_mem>>)
      %dma_wait3A_23 = arith.constant 0 : i32
      %dma_wait3A_24 = tpu.memref_slice %arg11[%mul3A_0, %dma_wait3A_23] : memref<10112x128xf32, #tpu.memory_space<vmem_shared>> -> memref<632x128xf32, #tpu.memory_space<vmem_shared>>
      tpu.wait_dma2 semaphore(%run_scoped3A_21 : memref<!tpu.dma_semaphore, #tpu.memory_space<semaphore_mem>>) src(%arg5 : memref<632x128xf32, #tpu.memory_space<hbm>>) dst(%dma_wait3A_24 : memref<632x128xf32, #tpu.memory_space<vmem_shared>>)
      tpu.yield
    }) : () -> ()
    %barrier3A = arith.constant 0 : index
    tpu.barrier barrier_id(%barrier3A)
    %scan3A = arith.constant 0 : i32
    %scan3A_2 = arith.constant 0 : i32
    %scan3A_3 = arith.constant 40 : i32
    %scan3A_4 = arith.addi %scan3A_2, %scan3A_3 : i32
    %scan3A_5 = arith.constant 1 : i32
    scf.for %scan3A_21 = %scan3A_2 to %scan3A_4 step %scan3A_5  : i32 {
      %jit3A = arith.constant 20 : i32
      %eq3A = arith.constant 0 : i32
      %eq3A_22 = arith.cmpi eq, %jit3A, %eq3A : i32
      %jit3A_23 = arith.constant 1 : i32
      %select_n3A = arith.select %eq3A_22, %jit3A_23, %jit3A : i32
      %rem3A = arith.remsi %scan3A_21, %select_n3A : i32
      %ne3A = arith.constant 0 : i32
      %ne3A_24 = arith.cmpi ne, %rem3A, %ne3A : i32
      %lt3A = arith.constant 0 : i32
      %lt3A_25 = arith.cmpi slt, %rem3A, %lt3A : i32
      %lt3A_26 = arith.constant 0 : i32
      %lt3A_27 = arith.cmpi slt, %select_n3A, %lt3A_26 : i32
      %ne3A_28 = arith.xori %lt3A_25, %lt3A_27 : i1
      %and3A = arith.andi %ne3A_28, %ne3A_24 : i1
      %add3A = arith.addi %rem3A, %select_n3A : i32
      %select_n3A_29 = arith.select %and3A, %add3A, %rem3A : i32
      %jit3A_30 = arith.constant 20 : i32
      %div3A = arith.divsi %scan3A_21, %jit3A_30 : i32
      %sign3A = arith.constant 0 : i32
      %sign3A_31 = arith.cmpi sgt, %scan3A_21, %sign3A : i32
      %sign3A_32 = arith.extui %sign3A_31 : i1 to i32
      %sign3A_33 = arith.constant 0 : i32
      %sign3A_34 = arith.cmpi slt, %scan3A_21, %sign3A_33 : i32
      %sign3A_35 = arith.extui %sign3A_34 : i1 to i32
      %sign3A_36 = arith.subi %sign3A_32, %sign3A_35 : i32
      %sign3A_37 = arith.constant 0 : i32
      %sign3A_38 = arith.cmpi sgt, %jit3A_30, %sign3A_37 : i32
      %sign3A_39 = arith.extui %sign3A_38 : i1 to i32
      %sign3A_40 = arith.constant 0 : i32
      %sign3A_41 = arith.cmpi slt, %jit3A_30, %sign3A_40 : i32
      %sign3A_42 = arith.extui %sign3A_41 : i1 to i32
      %sign3A_43 = arith.subi %sign3A_39, %sign3A_42 : i32
      %ne3A_44 = arith.cmpi ne, %sign3A_36, %sign3A_43 : i32
      %rem3A_45 = arith.remsi %scan3A_21, %jit3A_30 : i32
      %ne3A_46 = arith.constant 0 : i32
      %ne3A_47 = arith.cmpi ne, %rem3A_45, %ne3A_46 : i32
      %and3A_48 = arith.andi %ne3A_44, %ne3A_47 : i1
      %sub3A = arith.constant 1 : i32
      %sub3A_49 = arith.subi %div3A, %sub3A : i32
      %select_n3A_50 = arith.select %and3A_48, %sub3A_49, %div3A : i32
      %eq3A_51 = arith.constant 0 : i32
      %eq3A_52 = arith.cmpi eq, %select_n3A_29, %eq3A_51 : i32
      %gt3A = arith.constant 0 : i32
      %gt3A_53 = arith.cmpi sgt, %scan3A_21, %gt3A : i32
      %and3A_54 = arith.andi %eq3A_52, %gt3A_53 : i1
      %convert_element_type3A = arith.extui %and3A_54 : i1 to i32
      %cond3A = arith.constant 0 : i32
      %cond3A_55 = arith.cmpi ne, %convert_element_type3A, %cond3A : i32
      scf.if %cond3A_55 {
        %dma_wait3A_113 = arith.constant 0 : i32
        %dma_wait3A_114 = arith.constant 0 : i32
        %dma_wait3A_115 = tpu.memref_slice %arg8[%dma_wait3A_113, %dma_wait3A_114] : memref<40x128xi32, #tpu.memory_space<vmem>> -> memref<1x128xi32, #tpu.memory_space<vmem>>
        %dma_wait3A_116 = tpu.memref_squeeze %dma_wait3A_115 : memref<1x128xi32, #tpu.memory_space<vmem>> -> memref<128xi32, #tpu.memory_space<vmem>>
        %dma_wait3A_117 = arith.constant 0 : i32
        %dma_wait3A_118 = arith.constant 0 : i32
        %dma_wait3A_119 = tpu.memref_slice %arg11[%dma_wait3A_117, %dma_wait3A_118] : memref<10112x128xf32, #tpu.memory_space<vmem_shared>> -> memref<10112x128xf32, #tpu.memory_space<vmem_shared>>
        tpu.wait_indirect_dma semaphore(%arg13 : memref<!tpu.dma_semaphore, #tpu.memory_space<semaphore_mem>>) src(%arg9 : memref<128x128xf32, #tpu.memory_space<vmem>>) dst(%dma_wait3A_119 : memref<10112x128xf32, #tpu.memory_space<vmem_shared>>)
        %dma_wait3A_120 = arith.constant 1 : i32
        %dma_wait3A_121 = arith.constant 0 : i32
        %dma_wait3A_122 = tpu.memref_slice %arg8[%dma_wait3A_120, %dma_wait3A_121] : memref<40x128xi32, #tpu.memory_space<vmem>> -> memref<1x128xi32, #tpu.memory_space<vmem>>
        %dma_wait3A_123 = tpu.memref_squeeze %dma_wait3A_122 : memref<1x128xi32, #tpu.memory_space<vmem>> -> memref<128xi32, #tpu.memory_space<vmem>>
        %dma_wait3A_124 = arith.constant 0 : i32
        %dma_wait3A_125 = arith.constant 0 : i32
        %dma_wait3A_126 = tpu.memref_slice %arg11[%dma_wait3A_124, %dma_wait3A_125] : memref<10112x128xf32, #tpu.memory_space<vmem_shared>> -> memref<10112x128xf32, #tpu.memory_space<vmem_shared>>
        tpu.wait_indirect_dma semaphore(%arg14 : memref<!tpu.dma_semaphore, #tpu.memory_space<semaphore_mem>>) src(%arg10 : memref<128x128xf32, #tpu.memory_space<vmem>>) dst(%dma_wait3A_126 : memref<10112x128xf32, #tpu.memory_space<vmem_shared>>)
        "tpu.region"() ({
          %run_scoped3A_127 = tpu.sem_alloc : memref<!tpu.dma_semaphore, #tpu.memory_space<semaphore_mem>>
          %dma_start3A_128 = arith.constant 0 : i32
          %dma_start3A_129 = arith.constant 0 : i32
          %dma_start3A_130 = tpu.memref_slice %arg3[%arg0, %arg1, %select_n3A_50, %dma_start3A_128, %dma_start3A_129] : memref<2x16x2x40x128xi32, #tpu.memory_space<hbm>> -> memref<1x1x1x40x128xi32, #tpu.memory_space<hbm>>
          %dma_start3A_131 = tpu.memref_squeeze %dma_start3A_130 : memref<1x1x1x40x128xi32, #tpu.memory_space<hbm>> -> memref<40x128xi32, #tpu.memory_space<hbm>>
          %dma_start3A_132 = arith.constant 0 : i32
          %dma_start3A_133 = arith.constant 0 : i32
          %dma_start3A_134 = tpu.memref_slice %arg3[%arg0, %arg1, %select_n3A_50, %dma_start3A_132, %dma_start3A_133] : memref<2x16x2x40x128xi32, #tpu.memory_space<hbm>> -> memref<1x1x1x40x128xi32, #tpu.memory_space<hbm>>
          %dma_start3A_135 = tpu.memref_squeeze %dma_start3A_134 : memref<1x1x1x40x128xi32, #tpu.memory_space<hbm>> -> memref<40x128xi32, #tpu.memory_space<hbm>>
          tpu.enqueue_dma source(%dma_start3A_135 : memref<40x128xi32, #tpu.memory_space<hbm>>) target(%arg7 : memref<40x128xi32, #tpu.memory_space<vmem>>) target_semaphore(%run_scoped3A_127 : memref<!tpu.dma_semaphore, #tpu.memory_space<semaphore_mem>>)
          %dma_wait3A_136 = arith.constant 0 : i32
          %dma_wait3A_137 = arith.constant 0 : i32
          %dma_wait3A_138 = tpu.memref_slice %arg3[%arg0, %arg1, %select_n3A_50, %dma_wait3A_136, %dma_wait3A_137] : memref<2x16x2x40x128xi32, #tpu.memory_space<hbm>> -> memref<1x1x1x40x128xi32, #tpu.memory_space<hbm>>
          %dma_wait3A_139 = tpu.memref_squeeze %dma_wait3A_138 : memref<1x1x1x40x128xi32, #tpu.memory_space<hbm>> -> memref<40x128xi32, #tpu.memory_space<hbm>>
          %dma_wait3A_140 = arith.constant 0 : i32
          %dma_wait3A_141 = arith.constant 0 : i32
          %dma_wait3A_142 = tpu.memref_slice %arg3[%arg0, %arg1, %select_n3A_50, %dma_wait3A_140, %dma_wait3A_141] : memref<2x16x2x40x128xi32, #tpu.memory_space<hbm>> -> memref<1x1x1x40x128xi32, #tpu.memory_space<hbm>>
          %dma_wait3A_143 = tpu.memref_squeeze %dma_wait3A_142 : memref<1x1x1x40x128xi32, #tpu.memory_space<hbm>> -> memref<40x128xi32, #tpu.memory_space<hbm>>
          tpu.wait_dma2 semaphore(%run_scoped3A_127 : memref<!tpu.dma_semaphore, #tpu.memory_space<semaphore_mem>>) src(%dma_wait3A_143 : memref<40x128xi32, #tpu.memory_space<hbm>>) dst(%arg7 : memref<40x128xi32, #tpu.memory_space<vmem>>)
          tpu.yield
        }) : () -> ()
        "tpu.region"() ({
          %run_scoped3A_127 = tpu.sem_alloc : memref<!tpu.dma_semaphore, #tpu.memory_space<semaphore_mem>>
          %dma_start3A_128 = arith.constant 0 : i32
          %dma_start3A_129 = arith.constant 0 : i32
          %dma_start3A_130 = tpu.memref_slice %arg4[%arg0, %arg1, %select_n3A_50, %dma_start3A_128, %dma_start3A_129] : memref<2x16x2x40x128xi32, #tpu.memory_space<hbm>> -> memref<1x1x1x40x128xi32, #tpu.memory_space<hbm>>
          %dma_start3A_131 = tpu.memref_squeeze %dma_start3A_130 : memref<1x1x1x40x128xi32, #tpu.memory_space<hbm>> -> memref<40x128xi32, #tpu.memory_space<hbm>>
          %dma_start3A_132 = arith.constant 0 : i32
          %dma_start3A_133 = arith.constant 0 : i32
          %dma_start3A_134 = tpu.memref_slice %arg4[%arg0, %arg1, %select_n3A_50, %dma_start3A_132, %dma_start3A_133] : memref<2x16x2x40x128xi32, #tpu.memory_space<hbm>> -> memref<1x1x1x40x128xi32, #tpu.memory_space<hbm>>
          %dma_start3A_135 = tpu.memref_squeeze %dma_start3A_134 : memref<1x1x1x40x128xi32, #tpu.memory_space<hbm>> -> memref<40x128xi32, #tpu.memory_space<hbm>>
          tpu.enqueue_dma source(%dma_start3A_135 : memref<40x128xi32, #tpu.memory_space<hbm>>) target(%arg8 : memref<40x128xi32, #tpu.memory_space<vmem>>) target_semaphore(%run_scoped3A_127 : memref<!tpu.dma_semaphore, #tpu.memory_space<semaphore_mem>>)
          %dma_wait3A_136 = arith.constant 0 : i32
          %dma_wait3A_137 = arith.constant 0 : i32
          %dma_wait3A_138 = tpu.memref_slice %arg4[%arg0, %arg1, %select_n3A_50, %dma_wait3A_136, %dma_wait3A_137] : memref<2x16x2x40x128xi32, #tpu.memory_space<hbm>> -> memref<1x1x1x40x128xi32, #tpu.memory_space<hbm>>
          %dma_wait3A_139 = tpu.memref_squeeze %dma_wait3A_138 : memref<1x1x1x40x128xi32, #tpu.memory_space<hbm>> -> memref<40x128xi32, #tpu.memory_space<hbm>>
          %dma_wait3A_140 = arith.constant 0 : i32
          %dma_wait3A_141 = arith.constant 0 : i32
          %dma_wait3A_142 = tpu.memref_slice %arg4[%arg0, %arg1, %select_n3A_50, %dma_wait3A_140, %dma_wait3A_141] : memref<2x16x2x40x128xi32, #tpu.memory_space<hbm>> -> memref<1x1x1x40x128xi32, #tpu.memory_space<hbm>>
          %dma_wait3A_143 = tpu.memref_squeeze %dma_wait3A_142 : memref<1x1x1x40x128xi32, #tpu.memory_space<hbm>> -> memref<40x128xi32, #tpu.memory_space<hbm>>
          tpu.wait_dma2 semaphore(%run_scoped3A_127 : memref<!tpu.dma_semaphore, #tpu.memory_space<semaphore_mem>>) src(%dma_wait3A_143 : memref<40x128xi32, #tpu.memory_space<hbm>>) dst(%arg8 : memref<40x128xi32, #tpu.memory_space<vmem>>)
          tpu.yield
        }) : () -> ()
      } else {
      }
      %ne3A_56 = arith.constant 0 : i32
      %ne3A_57 = arith.cmpi ne, %select_n3A_29, %ne3A_56 : i32
      %convert_element_type3A_58 = arith.extui %ne3A_57 : i1 to i32
      %cond3A_59 = arith.constant 0 : i32
      %cond3A_60 = arith.cmpi ne, %convert_element_type3A_58, %cond3A_59 : i32
      scf.if %cond3A_60 {
        %dma_wait3A_113 = arith.constant 0 : i32
        %dma_wait3A_114 = arith.constant 0 : i32
        %dma_wait3A_115 = tpu.memref_slice %arg8[%dma_wait3A_113, %dma_wait3A_114] : memref<40x128xi32, #tpu.memory_space<vmem>> -> memref<1x128xi32, #tpu.memory_space<vmem>>
        %dma_wait3A_116 = tpu.memref_squeeze %dma_wait3A_115 : memref<1x128xi32, #tpu.memory_space<vmem>> -> memref<128xi32, #tpu.memory_space<vmem>>
        %dma_wait3A_117 = arith.constant 0 : i32
        %dma_wait3A_118 = arith.constant 0 : i32
        %dma_wait3A_119 = tpu.memref_slice %arg11[%dma_wait3A_117, %dma_wait3A_118] : memref<10112x128xf32, #tpu.memory_space<vmem_shared>> -> memref<10112x128xf32, #tpu.memory_space<vmem_shared>>
        tpu.wait_indirect_dma semaphore(%arg13 : memref<!tpu.dma_semaphore, #tpu.memory_space<semaphore_mem>>) src(%arg9 : memref<128x128xf32, #tpu.memory_space<vmem>>) dst(%dma_wait3A_119 : memref<10112x128xf32, #tpu.memory_space<vmem_shared>>)
      } else {
      }
      %mul3A_61 = arith.constant 2 : i32
      %mul3A_62 = arith.muli %mul3A_61, %select_n3A_29 : i32
      %dma_start3A = arith.constant 0 : i32
      %dma_start3A_63 = tpu.memref_slice %arg7[%mul3A_62, %dma_start3A] : memref<40x128xi32, #tpu.memory_space<vmem>> -> memref<1x128xi32, #tpu.memory_space<vmem>>
      %dma_start3A_64 = tpu.memref_squeeze %dma_start3A_63 : memref<1x128xi32, #tpu.memory_space<vmem>> -> memref<128xi32, #tpu.memory_space<vmem>>
      %dma_start3A_65 = arith.constant 0 : i32
      %dma_start3A_66 = arith.constant 0 : i32
      %dma_start3A_67 = tpu.memref_slice %arg2[%dma_start3A_65, %dma_start3A_66] : memref<10000x128xf32, #tpu.memory_space<hbm>> -> memref<10000x128xf32, #tpu.memory_space<hbm>>
      tpu.enqueue_indirect_dma source(%dma_start3A_67 : memref<10000x128xf32, #tpu.memory_space<hbm>>) target(%arg9 : memref<128x128xf32, #tpu.memory_space<vmem>>) offsets(%dma_start3A_64 : memref<128xi32, #tpu.memory_space<vmem>>) semaphore(%arg12 : memref<!tpu.dma_semaphore, #tpu.memory_space<semaphore_mem>>)
      %dma_wait3A_68 = arith.constant 0 : i32
      %dma_wait3A_69 = tpu.memref_slice %arg7[%mul3A_62, %dma_wait3A_68] : memref<40x128xi32, #tpu.memory_space<vmem>> -> memref<1x128xi32, #tpu.memory_space<vmem>>
      %dma_wait3A_70 = tpu.memref_squeeze %dma_wait3A_69 : memref<1x128xi32, #tpu.memory_space<vmem>> -> memref<128xi32, #tpu.memory_space<vmem>>
      %dma_wait3A_71 = arith.constant 0 : i32
      %dma_wait3A_72 = arith.constant 0 : i32
      %dma_wait3A_73 = tpu.memref_slice %arg2[%dma_wait3A_71, %dma_wait3A_72] : memref<10000x128xf32, #tpu.memory_space<hbm>> -> memref<10000x128xf32, #tpu.memory_space<hbm>>
      tpu.wait_indirect_dma semaphore(%arg12 : memref<!tpu.dma_semaphore, #tpu.memory_space<semaphore_mem>>) src(%dma_wait3A_73 : memref<10000x128xf32, #tpu.memory_space<hbm>>) dst(%arg9 : memref<128x128xf32, #tpu.memory_space<vmem>>)
      %mul3A_74 = arith.constant 2 : i32
      %mul3A_75 = arith.muli %mul3A_74, %select_n3A_29 : i32
      %dma_start3A_76 = arith.constant 0 : i32
      %dma_start3A_77 = tpu.memref_slice %arg8[%mul3A_75, %dma_start3A_76] : memref<40x128xi32, #tpu.memory_space<vmem>> -> memref<1x128xi32, #tpu.memory_space<vmem>>
      %dma_start3A_78 = tpu.memref_squeeze %dma_start3A_77 : memref<1x128xi32, #tpu.memory_space<vmem>> -> memref<128xi32, #tpu.memory_space<vmem>>
      %dma_start3A_79 = arith.constant 0 : i32
      %dma_start3A_80 = arith.constant 0 : i32
      %dma_start3A_81 = tpu.memref_slice %arg11[%dma_start3A_79, %dma_start3A_80] : memref<10112x128xf32, #tpu.memory_space<vmem_shared>> -> memref<10112x128xf32, #tpu.memory_space<vmem_shared>>
      tpu.enqueue_indirect_dma source(%arg9 : memref<128x128xf32, #tpu.memory_space<vmem>>) target(%dma_start3A_81 : memref<10112x128xf32, #tpu.memory_space<vmem_shared>>) offsets(%dma_start3A_78 : memref<128xi32, #tpu.memory_space<vmem>>) semaphore(%arg13 : memref<!tpu.dma_semaphore, #tpu.memory_space<semaphore_mem>>) {add = true}
      %ne3A_82 = arith.constant 0 : i32
      %ne3A_83 = arith.cmpi ne, %select_n3A_29, %ne3A_82 : i32
      %convert_element_type3A_84 = arith.extui %ne3A_83 : i1 to i32
      %cond3A_85 = arith.constant 0 : i32
      %cond3A_86 = arith.cmpi ne, %convert_element_type3A_84, %cond3A_85 : i32
      scf.if %cond3A_86 {
        %dma_wait3A_113 = arith.constant 1 : i32
        %dma_wait3A_114 = arith.constant 0 : i32
        %dma_wait3A_115 = tpu.memref_slice %arg8[%dma_wait3A_113, %dma_wait3A_114] : memref<40x128xi32, #tpu.memory_space<vmem>> -> memref<1x128xi32, #tpu.memory_space<vmem>>
        %dma_wait3A_116 = tpu.memref_squeeze %dma_wait3A_115 : memref<1x128xi32, #tpu.memory_space<vmem>> -> memref<128xi32, #tpu.memory_space<vmem>>
        %dma_wait3A_117 = arith.constant 0 : i32
        %dma_wait3A_118 = arith.constant 0 : i32
        %dma_wait3A_119 = tpu.memref_slice %arg11[%dma_wait3A_117, %dma_wait3A_118] : memref<10112x128xf32, #tpu.memory_space<vmem_shared>> -> memref<10112x128xf32, #tpu.memory_space<vmem_shared>>
        tpu.wait_indirect_dma semaphore(%arg14 : memref<!tpu.dma_semaphore, #tpu.memory_space<semaphore_mem>>) src(%arg10 : memref<128x128xf32, #tpu.memory_space<vmem>>) dst(%dma_wait3A_119 : memref<10112x128xf32, #tpu.memory_space<vmem_shared>>)
      } else {
      }
      %mul3A_87 = arith.constant 2 : i32
      %mul3A_88 = arith.muli %mul3A_87, %select_n3A_29 : i32
      %add3A_89 = arith.constant 1 : i32
      %add3A_90 = arith.addi %mul3A_88, %add3A_89 : i32
      %dma_start3A_91 = arith.constant 0 : i32
      %dma_start3A_92 = tpu.memref_slice %arg7[%add3A_90, %dma_start3A_91] : memref<40x128xi32, #tpu.memory_space<vmem>> -> memref<1x128xi32, #tpu.memory_space<vmem>>
      %dma_start3A_93 = tpu.memref_squeeze %dma_start3A_92 : memref<1x128xi32, #tpu.memory_space<vmem>> -> memref<128xi32, #tpu.memory_space<vmem>>
      %dma_start3A_94 = arith.constant 0 : i32
      %dma_start3A_95 = arith.constant 0 : i32
      %dma_start3A_96 = tpu.memref_slice %arg2[%dma_start3A_94, %dma_start3A_95] : memref<10000x128xf32, #tpu.memory_space<hbm>> -> memref<10000x128xf32, #tpu.memory_space<hbm>>
      tpu.enqueue_indirect_dma source(%dma_start3A_96 : memref<10000x128xf32, #tpu.memory_space<hbm>>) target(%arg10 : memref<128x128xf32, #tpu.memory_space<vmem>>) offsets(%dma_start3A_93 : memref<128xi32, #tpu.memory_space<vmem>>) semaphore(%arg12 : memref<!tpu.dma_semaphore, #tpu.memory_space<semaphore_mem>>)
      %dma_wait3A_97 = arith.constant 0 : i32
      %dma_wait3A_98 = tpu.memref_slice %arg7[%add3A_90, %dma_wait3A_97] : memref<40x128xi32, #tpu.memory_space<vmem>> -> memref<1x128xi32, #tpu.memory_space<vmem>>
      %dma_wait3A_99 = tpu.memref_squeeze %dma_wait3A_98 : memref<1x128xi32, #tpu.memory_space<vmem>> -> memref<128xi32, #tpu.memory_space<vmem>>
      %dma_wait3A_100 = arith.constant 0 : i32
      %dma_wait3A_101 = arith.constant 0 : i32
      %dma_wait3A_102 = tpu.memref_slice %arg2[%dma_wait3A_100, %dma_wait3A_101] : memref<10000x128xf32, #tpu.memory_space<hbm>> -> memref<10000x128xf32, #tpu.memory_space<hbm>>
      tpu.wait_indirect_dma semaphore(%arg12 : memref<!tpu.dma_semaphore, #tpu.memory_space<semaphore_mem>>) src(%dma_wait3A_102 : memref<10000x128xf32, #tpu.memory_space<hbm>>) dst(%arg10 : memref<128x128xf32, #tpu.memory_space<vmem>>)
      %mul3A_103 = arith.constant 2 : i32
      %mul3A_104 = arith.muli %mul3A_103, %select_n3A_29 : i32
      %add3A_105 = arith.constant 1 : i32
      %add3A_106 = arith.addi %mul3A_104, %add3A_105 : i32
      %dma_start3A_107 = arith.constant 0 : i32
      %dma_start3A_108 = tpu.memref_slice %arg8[%add3A_106, %dma_start3A_107] : memref<40x128xi32, #tpu.memory_space<vmem>> -> memref<1x128xi32, #tpu.memory_space<vmem>>
      %dma_start3A_109 = tpu.memref_squeeze %dma_start3A_108 : memref<1x128xi32, #tpu.memory_space<vmem>> -> memref<128xi32, #tpu.memory_space<vmem>>
      %dma_start3A_110 = arith.constant 0 : i32
      %dma_start3A_111 = arith.constant 0 : i32
      %dma_start3A_112 = tpu.memref_slice %arg11[%dma_start3A_110, %dma_start3A_111] : memref<10112x128xf32, #tpu.memory_space<vmem_shared>> -> memref<10112x128xf32, #tpu.memory_space<vmem_shared>>
      tpu.enqueue_indirect_dma source(%arg10 : memref<128x128xf32, #tpu.memory_space<vmem>>) target(%dma_start3A_112 : memref<10112x128xf32, #tpu.memory_space<vmem_shared>>) offsets(%dma_start3A_109 : memref<128xi32, #tpu.memory_space<vmem>>) semaphore(%arg14 : memref<!tpu.dma_semaphore, #tpu.memory_space<semaphore_mem>>) {add = true}
    }
    %scan3A_6 = arith.constant 40 : i32
    %dma_wait3A = arith.constant 0 : i32
    %dma_wait3A_7 = arith.constant 0 : i32
    %dma_wait3A_8 = tpu.memref_slice %arg8[%dma_wait3A, %dma_wait3A_7] : memref<40x128xi32, #tpu.memory_space<vmem>> -> memref<1x128xi32, #tpu.memory_space<vmem>>
    %dma_wait3A_9 = tpu.memref_squeeze %dma_wait3A_8 : memref<1x128xi32, #tpu.memory_space<vmem>> -> memref<128xi32, #tpu.memory_space<vmem>>
    %dma_wait3A_10 = arith.constant 0 : i32
    %dma_wait3A_11 = arith.constant 0 : i32
    %dma_wait3A_12 = tpu.memref_slice %arg11[%dma_wait3A_10, %dma_wait3A_11] : memref<10112x128xf32, #tpu.memory_space<vmem_shared>> -> memref<10112x128xf32, #tpu.memory_space<vmem_shared>>
    tpu.wait_indirect_dma semaphore(%arg13 : memref<!tpu.dma_semaphore, #tpu.memory_space<semaphore_mem>>) src(%arg9 : memref<128x128xf32, #tpu.memory_space<vmem>>) dst(%dma_wait3A_12 : memref<10112x128xf32, #tpu.memory_space<vmem_shared>>)
    %dma_wait3A_13 = arith.constant 1 : i32
    %dma_wait3A_14 = arith.constant 0 : i32
    %dma_wait3A_15 = tpu.memref_slice %arg8[%dma_wait3A_13, %dma_wait3A_14] : memref<40x128xi32, #tpu.memory_space<vmem>> -> memref<1x128xi32, #tpu.memory_space<vmem>>
    %dma_wait3A_16 = tpu.memref_squeeze %dma_wait3A_15 : memref<1x128xi32, #tpu.memory_space<vmem>> -> memref<128xi32, #tpu.memory_space<vmem>>
    %dma_wait3A_17 = arith.constant 0 : i32
    %dma_wait3A_18 = arith.constant 0 : i32
    %dma_wait3A_19 = tpu.memref_slice %arg11[%dma_wait3A_17, %dma_wait3A_18] : memref<10112x128xf32, #tpu.memory_space<vmem_shared>> -> memref<10112x128xf32, #tpu.memory_space<vmem_shared>>
    tpu.wait_indirect_dma semaphore(%arg14 : memref<!tpu.dma_semaphore, #tpu.memory_space<semaphore_mem>>) src(%arg10 : memref<128x128xf32, #tpu.memory_space<vmem>>) dst(%dma_wait3A_19 : memref<10112x128xf32, #tpu.memory_space<vmem_shared>>)
    %barrier3A_20 = arith.constant 0 : index
    tpu.barrier barrier_id(%barrier3A_20)
    "tpu.region"() ({
      %run_scoped3A_21 = tpu.sem_alloc : memref<!tpu.dma_semaphore, #tpu.memory_space<semaphore_mem>>
      %dma_start3A = arith.constant 0 : i32
      %dma_start3A_22 = tpu.memref_slice %arg6[%arg0, %mul3A_0, %dma_start3A] : memref<2x10112x128xf32, #tpu.memory_space<hbm>> -> memref<1x632x128xf32, #tpu.memory_space<hbm>>
      %dma_start3A_23 = tpu.memref_squeeze %dma_start3A_22 : memref<1x632x128xf32, #tpu.memory_space<hbm>> -> memref<632x128xf32, #tpu.memory_space<hbm>>
      %dma_start3A_24 = arith.constant 0 : i32
      %dma_start3A_25 = tpu.memref_slice %arg11[%mul3A_0, %dma_start3A_24] : memref<10112x128xf32, #tpu.memory_space<vmem_shared>> -> memref<632x128xf32, #tpu.memory_space<vmem_shared>>
      tpu.enqueue_dma source(%dma_start3A_25 : memref<632x128xf32, #tpu.memory_space<vmem_shared>>) target(%dma_start3A_23 : memref<632x128xf32, #tpu.memory_space<hbm>>) target_semaphore(%run_scoped3A_21 : memref<!tpu.dma_semaphore, #tpu.memory_space<semaphore_mem>>)
      %dma_wait3A_26 = arith.constant 0 : i32
      %dma_wait3A_27 = tpu.memref_slice %arg6[%arg0, %mul3A_0, %dma_wait3A_26] : memref<2x10112x128xf32, #tpu.memory_space<hbm>> -> memref<1x632x128xf32, #tpu.memory_space<hbm>>
      %dma_wait3A_28 = tpu.memref_squeeze %dma_wait3A_27 : memref<1x632x128xf32, #tpu.memory_space<hbm>> -> memref<632x128xf32, #tpu.memory_space<hbm>>
      %dma_wait3A_29 = arith.constant 0 : i32
      %dma_wait3A_30 = tpu.memref_slice %arg11[%mul3A_0, %dma_wait3A_29] : memref<10112x128xf32, #tpu.memory_space<vmem_shared>> -> memref<632x128xf32, #tpu.memory_space<vmem_shared>>
      tpu.wait_dma2 semaphore(%run_scoped3A_21 : memref<!tpu.dma_semaphore, #tpu.memory_space<semaphore_mem>>) src(%dma_wait3A_30 : memref<632x128xf32, #tpu.memory_space<vmem_shared>>) dst(%dma_wait3A_28 : memref<632x128xf32, #tpu.memory_space<hbm>>)
      tpu.yield
    }) : () -> ()
    return
  }
}

module attributes {stable_mosaic.version = 14 : i64} {
  func.func @body(%arg0: i32, %arg1: memref<1x2000x128xf32, #tpu.memory_space<vmem>>, %arg2: memref<1x2000x128xf32, #tpu.memory_space<vmem>>, %arg3: memref<2000x128xf32, #tpu.memory_space<vmem>>) attributes {dimension_semantics = [#tpu.dimension_semantics<arbitrary>], iteration_bounds = array<i64: 5>, scalar_prefetch = 0 : i64, scratch_operands = 0 : i64, tpu.core_type = #tpu.core_type<tc>, window_params = [{transform_indices = @transform_0, window_bounds = array<i64: 1, 2000, 128>}, {transform_indices = @transform_1, window_bounds = array<i64: 1, 2000, 128>}, {transform_indices = @transform_2, window_bounds = array<i64: 2000, 128>}]} {
    %get3A = arith.constant 0 : index
    %get3A_0 = arith.constant 0 : index
    %get3A_1 = arith.constant 0 : index
    %get3A_2 = vector.load %arg1[%get3A, %get3A_0, %get3A_1] : memref<1x2000x128xf32, #tpu.memory_space<vmem>>, vector<1x2000x128xf32>
    %get3A_3 = vector.shape_cast %get3A_2 : vector<1x2000x128xf32> to vector<2000x128xf32>
    %get3A_4 = arith.constant 0 : index
    %get3A_5 = arith.constant 0 : index
    %get3A_6 = arith.constant 0 : index
    %get3A_7 = vector.load %arg2[%get3A_4, %get3A_5, %get3A_6] : memref<1x2000x128xf32, #tpu.memory_space<vmem>>, vector<1x2000x128xf32>
    %get3A_8 = vector.shape_cast %get3A_7 : vector<1x2000x128xf32> to vector<2000x128xf32>
    %add3A = arith.addf %get3A_3, %get3A_8 : vector<2000x128xf32>
    %swap3A = arith.constant 0 : index
    %swap3A_9 = arith.constant 0 : index
    %swap3A_10 = vector.load %arg3[%swap3A, %swap3A_9] : memref<2000x128xf32, #tpu.memory_space<vmem>>, vector<2000x128xf32>
    tpu.vector_store %arg3[%swap3A, %swap3A_9], %add3A {strides = array<i32>} : memref<2000x128xf32, #tpu.memory_space<vmem>>, vector<2000x128xf32>,
    return
  }
  func.func @transform_0(%arg0: i32) -> (i32, i32, i32) {
    %c0_i32 = arith.constant 0 : i32
    %c0_i32_0 = arith.constant 0 : i32
    %c0_i32_1 = arith.constant 0 : i32
    return %c0_i32, %arg0, %c0_i32_0 : i32, i32, i32
  }
  func.func @transform_1(%arg0: i32) -> (i32, i32, i32) {
    %c1_i32 = arith.constant 1 : i32
    %c0_i32 = arith.constant 0 : i32
    %c0_i32_0 = arith.constant 0 : i32
    return %c1_i32, %arg0, %c0_i32 : i32, i32, i32
  }
  func.func @transform_2(%arg0: i32) -> (i32, i32) {
    %c0_i32 = arith.constant 0 : i32
    %c0_i32_0 = arith.constant 0 : i32
    return %arg0, %c0_i32 : i32, i32
  }
}

</mosaic_0001>

<sc_bundles>
// kernel: kernel.4.cloned.1.call-start
scs
__scs_entry_jumppad:
0x0: {  	(pc) =	sbr.rel $0x88, $3  }
0x1: {  	(tag) =	ssettag $0x0;
	lr =	simm.s32 $0x1  }
0x2: {  	[smem:$0x3F9F] =	sst lr;
	_ =	strace $0xD0000000  }
0x3: {  	_ = 	snop  }
0x4: {  	_ = 	snop  }
0x5: {  	_ = 	snop  }
0x6: {  	_ = 	snop  }
0x7: {  	_ = 	snop  }
__scs_overlays_trampoline_lowered:
0x8: {  	[smem:$0x3FAE] =	sst s0  }
0x9: {  	[smem:$0x3FAF] =	sst s1  }
0xa: {  	[smem:$0x3FB0] =	sst s2  }
0xb: {  	[smem:$0x3FB1] =	sst s3  }
0xc: {  	[smem:$0x3FB2] =	sst s4  }
0xd: {  	[smem:$0x3FB3] =	sst s5  }
0xe: {  	[smem:$0x3FB4] =	sst s6  }
0xf: {  	[smem:$0x3FB5] =	sst s7  }
0x10: {  	[smem:$0x3FB6] =	sst s8  }
0x11: {  	[smem:$0x3FB7] =	sst s9;
	s0 =	simm.s32 @!p0 $0x0  }
0x12: {  	s1 =	sld [smem:$0x3F9D];
	s0 =	simm.s32 @p0 $0x1  }
0x13: {  	[smem:$0x3FB8] =	sst s0;
	s0 =	simm.s32 @!p1 $0x0  }
0x14: {  	s2 =	sld [smem:$0x3F9C];
	s0 =	simm.s32 @p1 $0x1  }
0x15: {  	[smem:$0x3FB9] =	sst s0;
	s0 =	simm.s32 @!p2 $0x0  }
0x16: {  	s3 =	sld [smem:$0x3FDB];
	s0 =	simm.s32 @p2 $0x1  }
0x17: {  	s4 =	simm.s32 $0x1BF5;
	[smem:$0x3FBB] =	sst s0  }
0x18: {  	s0 =	sld [smem:$0x3F9E];
	_ =	swait.ge [sflag:s4], $0x0  }
0x19: {  	s7 =	sld [smem:$0x3F9F]  }
0x1a: {  	s8 =	sadd.s32 $0xFFFFE003, lr  }
0x1b: {  	s9 =	sadd.s32 $0xFFFFFEF7, lr;
	s5 =	simm.s32 $0xFFFFFFFF;
	p2 =	slt.u32 s8, $0xFFFFF086  }
0x1c: {  	p1 =	slt.u32 s9, $0xF7A;
	s5 =	simm.s32 @!p2 $0x0  }
0x1d: {  	s5 =	simm.s32 @p1 $0x1;
	p0 =	seq.s32 s7, s2  }
0x1e: {  	s7 =	smul.u32 @!p0 $0xF7A, s2;
	p2 =	seq.s32 @!p0 s5, $0x0  }
0x1f: {  	s9 =	smul.u32 $0xF7A, s1;
	s8 =	simm.s32 @!p0 $0x1BF5;
	p2 =	por !p2, p0  }
0x20: {  	[sflag:s8] =	ssyncset.s32 @!p0 $0xFFFFF086;
	s6 =	sadd.s32 @!p0 s3, s7;
	s7 =	simm.s32 @!p0 $0x108  }
0x21: {  	s3 =	sadd.s32 s3, s9;
	s6 =	sadd.s32 @!p0 $0x88, s6;
	s7 =	simm.s32 @p2 $0x1082  }
0x22: {  	[simem:s7], [sflag:s8] =	dma.local @!p0 [hbm:s6], $0xF7A  }
0x23: {  	s9 =	sor.u32 $0xD0000000, s2;
	s6 =	simm.s32 $0x108;
	_ =	swait.ge @!p0 [sflag:s8], $0x0  }
0x24: {  	s3 =	sadd.s32 $0x88, s3;
	s6 =	simm.s32 @!p1 $0x1082;
	[sflag:s4] =	ssyncset.s32 $0xFFFFF086  }
0x25: {  	[simem:s6], [sflag:s4] =	dma.local [hbm:s3], $0xF7A  }
0x26: {  	[smem:$0x3F9F] =	sst s1;
	(tag) =	ssettag s2;
	_ =	strace s9  }
0x27: {  	s1 =	sld [smem:$0x3FAF]  }
0x28: {  	s2 =	sld [smem:$0x3FB0]  }
0x29: {  	s4 =	sld [smem:$0x3FB2]  }
0x2a: {  	p0 =	seq.s32 s5, $0x0;
	s5 =	sld [smem:$0x3FB3]  }
0x2b: {  	s6 =	sld [smem:$0x3FB4]  }
0x2c: {  	s7 =	sld [smem:$0x3FB5]  }
0x2d: {  	s3 =	simm.s32 $0x108;
	s8 =	sld [smem:$0x3FB6]  }
0x2e: {  	s3 =	simm.s32 @!p0 $0x1082;
	s9 =	sld [smem:$0x3FB7]  }
0x2f: {  	lr =	sadd.s32 s0, s3;
	s0 =	sld [smem:$0x3FAE]  }
0x30: {  	s3 =	sld [smem:$0x3FB1]  }
0x31: {  	[smem:$0x3FBA] =	sst s10  }
0x32: {  	s10 =	sld [smem:$0x3FB8];
	_ =	sdelay $0x3  }
0x33: {  	p0 =	seq.s32 s10, $0x1;
	s10 =	sld [smem:$0x3FBA];
	_ =	sdelay $0x3  }
0x34: {  	[smem:$0x3FBA] =	sst s10  }
0x35: {  	s10 =	sld [smem:$0x3FB9];
	_ =	sdelay $0x3  }
0x36: {  	p1 =	seq.s32 s10, $0x1;
	s10 =	sld [smem:$0x3FBA];
	_ =	sdelay $0x3  }
0x37: {  	[smem:$0x3FBA] =	sst s10  }
0x38: {  	s10 =	sld [smem:$0x3FBB]  }
0x39: {  	_ = 	snop;
	(pc) =	sbr.ind lr, $3  }
0x3a: {  	_ = 	snop  }
0x3b: {  	_ = 	snop  }
0x3c: {  	p2 =	seq.s32 s10, $0x1;
	s10 =	sld [smem:$0x3FBA]  }
0x3d: {  	_ =	shalt  }
0x3e: {  	_ =	shalt  }
0x3f: {  	_ =	shalt  }
0x40: {  	_ =	shalt  }
0x41: {  	_ =	shalt  }
0x42: {  	_ =	shalt  }
0x43: {  	_ =	shalt  }
0x44: {  	_ =	shalt  }
0x45: {  	_ =	shalt  }
0x46: {  	_ =	shalt  }
0x47: {  	_ =	shalt  }
0x48: {  	_ =	shalt  }
0x49: {  	_ =	shalt  }
0x4a: {  	_ =	shalt  }
0x4b: {  	_ =	shalt  }
0x4c: {  	_ =	shalt  }
0x4d: {  	_ =	shalt  }
0x4e: {  	_ =	shalt  }
0x4f: {  	_ =	shalt  }
0x50: {  	_ =	shalt  }
0x51: {  	_ =	shalt  }
0x52: {  	_ =	shalt  }
0x53: {  	_ =	shalt  }
0x54: {  	_ =	shalt  }
0x55: {  	_ =	shalt  }
0x56: {  	_ =	shalt  }
0x57: {  	_ =	shalt  }
0x58: {  	_ =	shalt  }
0x59: {  	_ =	shalt  }
0x5a: {  	_ =	shalt  }
0x5b: {  	_ =	shalt  }
0x5c: {  	_ =	shalt  }
0x5d: {  	_ =	shalt  }
0x5e: {  	_ =	shalt  }
0x5f: {  	_ =	shalt  }
0x60: {  	_ =	shalt  }
0x61: {  	_ =	shalt  }
0x62: {  	_ =	shalt  }
0x63: {  	_ =	shalt  }
0x64: {  	_ =	shalt  }
0x65: {  	_ =	shalt  }
0x66: {  	_ =	shalt  }
0x67: {  	_ =	shalt  }
0x68: {  	_ =	shalt  }
0x69: {  	_ =	shalt  }
0x6a: {  	_ =	shalt  }
0x6b: {  	_ =	shalt  }
0x6c: {  	_ =	shalt  }
0x6d: {  	_ =	shalt  }
0x6e: {  	_ =	shalt  }
0x6f: {  	_ =	shalt  }
0x70: {  	_ =	shalt  }
0x71: {  	_ =	shalt  }
0x72: {  	_ =	shalt  }
0x73: {  	_ =	shalt  }
0x74: {  	_ =	shalt  }
0x75: {  	_ =	shalt  }
0x76: {  	_ =	shalt  }
0x77: {  	_ =	shalt  }
0x78: {  	_ =	shalt  }
0x79: {  	_ =	shalt  }
0x7a: {  	_ =	shalt  }
0x7b: {  	_ =	shalt  }
0x7c: {  	_ =	shalt  }
0x7d: {  	_ =	shalt  }
0x7e: {  	_ =	shalt  }
0x7f: {  	_ =	shalt  }
0x80: {  	_ =	shalt  }
0x81: {  	_ =	shalt  }
0x82: {  	_ =	shalt  }
0x83: {  	_ =	shalt  }
0x84: {  	_ =	shalt  }
0x85: {  	_ =	shalt  }
0x86: {  	_ =	shalt  }
0x87: {  	_ =	shalt  }
.Lfunc_end0:
.L_simem_size_0:
called_computation_lowered:
.L_overlay_start_0:
0x88: {  	s2 =	sld [smem:$0x3FD9]  }
0x89: {  	s3 =	sld [smem:$0x3FFE];
	_ =	sdelay $0x1  }
0x8a: {  	s1 =	srdreg.scid  }
0x8b: {  	s0 =	sand.u32 $0x1, s1  }
0x8c: {  	s17 =	sshll.u32 s0, $0xA;
	s2 =	sadd.s32 s3, s2  }
0x8d: {  	s2 =	sadd.s32 s2, s17  }
0x8e: {  	[smem:$0x3FC6] =	sst s2  }
0x8f: {  	_ = 	snop  }
0x90: {  	s2 =	sld [smem:$0x3FC9]  }
0x91: {  	s18 =	sld [smem:$0x3FD0];
	(tm) =	ssettm $0x1  }
0x92: {  	s4 =	sld [smem:$0x3FFB];
	_ =	sdelay $0x3  }
0x93: {  	_ =	strace s4  }
0x94: {  	s4 =	sld [smem:$0x3FFC];
	_ =	sdelay $0x3  }
0x95: {  	_ =	strace s4  }
0x96: {  	s4 =	sld [smem:$0x3FFD];
	_ =	sdelay $0x3  }
0x97: {  	_ =	strace s4  }
0x98: {  	_ =	strace $0x8FFFFFFF  }
0x99: {  	s19 =	sld [smem:$0x3FDB];
	_ =	sdelay $0x1  }
0x9a: {  	s5 =	simm.s32 $_scs_section_size  }
0x9b: {  	s6 =	simm.s32 $_size__tile_overlayer_lowered;
	s7 =	simm.s32 $_tile_overlayer_lowered  }
0x9c: {  	s22 =	simm.s32 $0x1BFF;
	s21 =	sshll.u32 s7, $0x1;
	s4 =	sadd.s32 s5, s19  }
0x9d: {  	s8 =	simm.s32 $0x0;
	s20 =	sshll.u32 s6, $0x1;
	s6 =	sadd.s32 s21, s4  }
0x9e: {  	[timem:s8], [sflag:s22] =	dma.local [hbm:s6], s20  }
0x9f: {  	_ =	swait.ge [sflag:s22], s20  }
0xa0: {  	s5 =	ssub.s32 $0x0, s20;
	[sflag:s22] =	ssyncset.done $0x0  }
0xa1: {  	[sflag:s22] =	ssyncadd.s32 s5;
	_ =	sdelay $0x1  }
0xa2: {  	s23 =	simm.s32 $0x1B8B  }
0xa3: {  	_ =	swait.ge [sflag:s23], $0x1  }
0xa4: {  	[sflag:s23] =	ssyncset.done $0x0  }
0xa5: {  	s25 =	simm.s32 $0x1B8E;
	s24 =	sld [smem:$0x3FFE];
	[sflag:s23] =	ssyncadd.s32 $0xFFFFFFFF  }
0xa6: {  	s26 =	simm.s32 $execute0_lowered;
	[smem:$0x3FD2] =	sst s25  }
0xa7: {  	s6 =	sshll.u32 s26, $0x1;
	_ =	strace $0x80000046;
	[dreg:$0x1] =	wrdreg $0xFFFFFFFF  }
0xa8: {  	s28 =	simm.s32 $_size_execute0_lowered;
	s4 =	sadd.s32 s4, s6;
	[dreg:$0x0] =	wrdreg $0x0  }
0xa9: {  	s6 =	sshll.u32 s28, $0x1;
	[dreg:$0x2] =	wrdreg s4  }
0xaa: {  	[dreg:$0x3] =	wrdreg s6  }
0xab: {  	[dreg:$0x4] =	wrdreg $0xC0  }
0xac: {  	_ =	task [dreg:s8], $0x5FFFF  }
0xad: {  	[dreg:$0x1] =	wrdreg $0xFFFFFFFF  }
0xae: {  	[dreg:$0x0] =	wrdreg $0x60  }
0xaf: {  	[dreg:$0x2] =	wrdreg s2  }
0xb0: {  	[dreg:$0x3] =	wrdreg s18  }
0xb1: {  	[dreg:$0x4] =	wrdreg s24  }
0xb2: {  	[dreg:$0x5] =	wrdreg $0xA8000  }
0xb3: {  	[dreg:$0x6] =	wrdreg $0x9  }
0xb4: {  	_ =	task.clear_ibuf [dreg:s8], $0x7FFFF;
	_ =	strace $0x90000046  }
0xb5: {  	s29 =	simm.s32 $0x9;
	_ =	strace $0x80000048  }
0xb6: {  	_ =	swait.ge [sflag:s29], $0x1  }
0xb7: {  	[sflag:s29] =	ssyncadd.s32 $0xFFFFFFFF  }
0xb8: {  	_ =	strace $0x90000048  }
0xb9: {  	_ =	sfence  }
0xba: {  	s30 =	sld [smem:$0x0];
	_ =	sdelay $0x2  }
0xbb: {  	s31 =	sshll.u32 s1, $0xD;
	s1 =	sshrl.u32 s1, $0x2  }
0xbc: {  	s3 =	sand.u32 $0x4000, s31;
	s1 =	sadd.s32 s1, s30  }
0xbd: {  	s0 =	sor.u32 s3, s0;
	s1 =	sshll.u32 s1, $0x11  }
0xbe: {  	s0 =	sor.u32 s1, s0  }
0xbf: {  	s0 =	sadd.s32 $0x8F2B, s0  }
0xc0: {  	[sflag:s0] =	ssyncadd.remote.s32 $0x1  }
0xc1: {  	_ =	sfence.sel $0xFFFF  }
0xc2: {  	[dreg:$0x0] =	wrdreg $0xFFFFFFFF;
	(pc) =	sbr.abs _section_cstart, $3  }
0xc3: {  	[dreg:$0x1] =	wrdreg $0xFFFFFFFF  }
0xc4: {  	_ =	task.clear_ibuf [dreg:s8], $0x2FFFF;
	_ =	strace $0x9FFFFFFF  }
0xc5: {  	(tm) =	ssettm $0x7FFFFFFF  }
tec
execute0_lowered:
.L_overlay_start_1:
0x0: {  	(tag) =	ssettag $0x1  }
0x1: {  	s1 =	rddreg [dreg:$0x0]  }
0x2: {  	s2 =	rddreg [dreg:$0x1]  }
0x3: {  	s3 =	rddreg [dreg:$0x2]  }
0x4: {  	s4 =	rddreg [dreg:$0x3]  }
0x5: {  	s5 =	srdreg.scid;
	s6 =	simm.s32 $0x0;
	s0 =	stileid.u32  }
0x6: {  	s17 =	simm.s32 $0x80;
	s18 =	simm.s32 $0x2800;
	s19 =	simm.s32 $0x1  }
0x7: {  	s20 =	simm.s32 $0x6800;
	s21 =	simm.s32 $0x1480;
	s22 =	simm.s32 $0x2  }
0x8: {  	s23 =	simm.s32 $0x3;
	s24 =	simm.s32 $0x0;
	s10 =	smul.u32 $0x13C00, s0  }
0x9: {  	s8 =	sand.u32 $0x1, s5;
	[smem:$0x7FF] =	sst s6;
	s29 =	smul.u32 $0x2800, s0  }
0xa: {  	s7 =	sadd.s32 $0xA000, s3;
	s13 =	smul.u32 $0x4F000, s0;
	s15 =	sshll.u32 s0, $0x6  }
0xb: {  	s9 =	smul.u32 $0x13C000, s8;
	_ =	strace $0x80000047;
	s12 =	ssub.s32 $0x2, s8  }
0xc: {  	s11 =	smul.u32 $0x28000, s8;
	s15 =	sor.u32 $0x1C04, s15;
	s30 =	sshrl.u32 s12, $0x1  }
0xd: {  	s31 =	sshrl.u32 s13, $0x2;
	s13 =	simm.s32 $0x4;
	s9 =	sadd.s32 s10, s9  }
0xe: {  	s8 =	sadd.s32 s29, s11;
	s12 =	ssub.s32 s12, s30;
	s16 =	sadd.s32 s31, s4  }
0xf: {  	s9 =	sshrl.u32 s9, $0x3;
	s10 =	sshrl.u32 s8, $0x3;
	s12 =	smax.u32 s12, $0x1  }
0x10: {  	s16 =	sshrl.u32 s16, $0x3;
	s14 =	sadd.s32 s9, s3;
	s9 =	sadd.s32 s2, s10  }
0x11: {  	s10 =	sadd.s32 s3, s10;
	s11 =	sadd.s32 $0xC800, s14;
	s14 =	simm.s32 $0x1400  }
.LBB2_1:
0x12: {  	[tilespmem:s6], [sflag:$0x4] =	stream.linear.gather [hbm4b:s9+s6], $0x1400, $0x38;
	[tilespmem:$0x1E400] =	vst v63  }
0x13: {  	_ =	swait.ge [sflag:s13], $0x1400  }
0x14: {  	[sflag:s13] =	ssyncset.done $0x0  }
0x15: {  	[sflag:s13] =	ssyncadd.s32 $0xFFFFEC00  }
0x16: {  	[tilespmem:s14], [sflag:$0x4] =	stream.linear.gather [hbm4b:s10+s6], $0x1400, $0x38;
	[tilespmem:$0x1E400] =	vst v63  }
0x17: {  	_ =	swait.ge [sflag:s13], $0x1400  }
0x18: {  	[sflag:s13] =	ssyncset.done $0x0  }
0x19: {  	[sflag:s13] =	ssyncadd.s32 $0xFFFFEC00  }
0x1a: {  	[spmem:s16], [sflag:s15] =	dma.local [hbm:s7], $0x2780  }
0x1b: {  	_ =	swait.ge [sflag:s13], $0x2780  }
0x1c: {  	[sflag:s13] =	ssyncset.done $0x0  }
0x1d: {  	[sflag:s13] =	ssyncadd.s32 $0xFFFFD880  }
0x1e: {  	[bflag:$0x0] =	sbarrier.arrive $0xFFFF  }
0x1f: {  	[tilespmem:s18], [sflag:$0x1] =	stream.indirect.gather [hbm4b:s1+s17], $0x80, s6, s17, $0xb8;
	[tilespmem:$0x1E400] =	vst v63  }
0x20: {  	_ =	swait.ge [sflag:s19], $0x4000  }
0x21: {  	[sflag:s19] =	ssyncset.done $0x0  }
0x22: {  	[sflag:s19] =	ssyncadd.s32 $0xFFFFC000  }
0x23: {  	[spmem:s4] =	stream.indirect.scatter.add.f32 [tilespmem:s18], [sflag:$0x2], $0x80, s14, s17, $0xb8;
	[tilespmem:$0x1E400] =	vst v63  }
0x24: {  	s28 =	simm.s32 $0xFFFFFFED  }
0x25: {  	[tilespmem:s20], [sflag:$0x1] =	stream.indirect.gather [hbm4b:s1+s17], $0x80, s17, s17, $0xb8;
	[tilespmem:$0x1E400] =	vst v63  }
0x26: {  	s25 =	simm.s32 $0x1;
	p0 =	por $0x1, $0x1;
	_ =	swait.ge [sflag:s19], $0x4000  }
0x27: {  	s28 =	smov.u32 @p0 s25;
	[sflag:s19] =	ssyncset.done $0x0  }
0x28: {  	p0 =	sne.s32 s28, $0x0;
	[sflag:s19] =	ssyncadd.s32 $0xFFFFC000  }
0x29: {  	[spmem:s4] =	stream.indirect.scatter.add.f32 [tilespmem:s20], [sflag:$0x3], $0x80, s21, s17, $0xb8;
	[tilespmem:$0x1E400] =	vst v63  }
0x2a: {  	p1 =	por @!p0 $0x0, $0x0;
	_ =	swait.ge [sflag:s22], $0x4000  }
0x2b: {  	s25 =	simm.s32 @!p0 $0x1400;
	p1 =	por !p1, p0;
	[sflag:s22] =	ssyncset.done $0x0  }
0x2c: {  	s26 =	simm.s32 @!p0 $0x3;
	s25 =	simm.s32 @p1 $0x0;
	[sflag:s22] =	ssyncadd.s32 $0xFFFFC000  }
0x2d: {  	s25 =	sadd.s32 @!p0 s8, s25;
	_ =	swait.ge @!p0 [sflag:s26], $0x4000  }
0x2e: {  	s30 =	simm.s32 @!p0 $0x4;
	s25 =	sshrl.u32 @!p0 s25, $0x3;
	[sflag:s26] =	ssyncset.done @!p0 $0x0  }
0x2f: {  	s29 =	sadd.s32 @!p0 s2, s25;
	[sflag:s26] =	ssyncadd.s32 @!p0 $0xFFFFC000;
	s26 =	simm.s32 @!p0 $0x0  }
0x30: {  	[tilespmem:s26], [sflag:$0x4] =	stream.linear.gather @!p0 [hbm4b:s29+s26], $0x1400, $0x38;
	[tilespmem:$0x1E400] =	vst v63  }
0x31: {  	_ =	swait.ge @!p0 [sflag:s30], $0x1400  }
0x32: {  	[sflag:s30] =	ssyncset.done @!p0 $0x0  }
0x33: {  	s25 =	sadd.s32 @!p0 s3, s25;
	s29 =	simm.s32 @!p0 $0x1400;
	[sflag:s30] =	ssyncadd.s32 @!p0 $0xFFFFEC00  }
0x34: {  	[tilespmem:s29], [sflag:$0x4] =	stream.linear.gather @!p0 [hbm4b:s25+s26], $0x1400, $0x38;
	[tilespmem:$0x1E400] =	vst v63  }
0x35: {  	_ =	swait.ge @!p0 [sflag:s30], $0x1400  }
0x36: {  	[sflag:s30] =	ssyncset.done @!p0 $0x0  }
0x37: {  	s29 =	sshll.u32 s28, $0x8;
	[sflag:s30] =	ssyncadd.s32 @!p0 $0xFFFFEC00  }
0x38: {  	[tilespmem:s18], [sflag:$0x1] =	stream.indirect.gather [hbm4b:s1+s17], $0x80, s29, s17, $0xb8;
	[tilespmem:$0x1E400] =	vst v63  }
0x39: {  	p2 =	seq.s32 s28, $0x0;
	p1 =	por $0x1, $0x1;
	_ =	swait.ge [sflag:s19], $0x4000  }
0x3a: {  	s25 =	simm.s32 $0xFFFFFFEE;
	s26 =	simm.s32 $0xFFFFFFEF;
	[sflag:s19] =	ssyncset.done $0x0  }
0x3b: {  	s31 =	sadd.s32 $0x1400, s29;
	s30 =	simm.s32 $0x2;
	[sflag:s19] =	ssyncadd.s32 $0xFFFFC000  }
.LBB2_2:
0x3c: {  	s28 =	smov.u32 s25;
	s0 =	simm.s32 @!p2 $0x3  }
0x3d: {  	s25 =	smov.u32 s26;
	s26 =	sadd.s32 $0x1, s26;
	s28 =	smov.u32 @p1 s30  }
0x3e: {  	[spmem:s4] =	stream.indirect.scatter.add.f32 [tilespmem:s18], [sflag:$0x2], $0x80, s31, s17, $0xb8;
	[tilespmem:$0x1E400] =	vst v63  }
0x3f: {  	p0 =	sne.s32 s26, $0x14;
	p1 =	sne.s32 s28, $0x0;
	_ =	swait.ge @!p2 [sflag:s0], $0x4000  }
0x40: {  	p3 =	sgt.u32 @!p1 s30, $0x13;
	s30 =	sor.u32 $0x80, s29;
	[sflag:s0] =	ssyncset.done @!p2 $0x0  }
0x41: {  	s31 =	simm.s32 @!p1 $0x1400;
	p3 =	por !p3, p1;
	[sflag:s0] =	ssyncadd.s32 @!p2 $0xFFFFC000  }
0x42: {  	[tilespmem:s20], [sflag:$0x1] =	stream.indirect.gather [hbm4b:s1+s17], $0x80, s30, s17, $0xb8;
	[tilespmem:$0x1E400] =	vst v63  }
0x43: {  	s0 =	simm.s32 @!p1 $0x1400;
	_ =	swait.ge [sflag:s19], $0x4000  }
0x44: {  	s0 =	simm.s32 @p3 $0x0;
	[sflag:s19] =	ssyncset.done $0x0  }
0x45: {  	s29 =	sadd.s32 $0x1480, s29;
	s0 =	sadd.s32 @!p1 s8, s0;
	[sflag:s19] =	ssyncadd.s32 $0xFFFFC000  }
0x46: {  	[spmem:s4] =	stream.indirect.scatter.add.f32 [tilespmem:s20], [sflag:$0x3], $0x80, s29, s17, $0xb8;
	[tilespmem:$0x1E400] =	vst v63  }
0x47: {  	s0 =	sshrl.u32 @!p1 s0, $0x3;
	_ =	swait.ge [sflag:s22], $0x4000  }
0x48: {  	s29 =	sadd.s32 @!p1 s2, s0;
	s0 =	sadd.s32 @!p1 s3, s0;
	[sflag:s22] =	ssyncset.done $0x0  }
0x49: {  	s30 =	simm.s32 @!p1 $0x3;
	[sflag:s22] =	ssyncadd.s32 $0xFFFFC000  }
0x4a: {  	_ =	swait.ge @!p1 [sflag:s30], $0x4000  }
0x4b: {  	[sflag:s30] =	ssyncset.done @!p1 $0x0  }
0x4c: {  	s5 =	simm.s32 @!p1 $0x4;
	[sflag:s30] =	ssyncadd.s32 @!p1 $0xFFFFC000;
	s30 =	simm.s32 @!p1 $0x0  }
0x4d: {  	[tilespmem:s30], [sflag:$0x4] =	stream.linear.gather @!p1 [hbm4b:s29+s30], $0x1400, $0x38;
	[tilespmem:$0x1E400] =	vst v63  }
0x4e: {  	_ =	swait.ge @!p1 [sflag:s5], $0x1400  }
0x4f: {  	[sflag:s5] =	ssyncset.done @!p1 $0x0  }
0x50: {  	[sflag:s5] =	ssyncadd.s32 @!p1 $0xFFFFEC00  }
0x51: {  	[tilespmem:s31], [sflag:$0x4] =	stream.linear.gather @!p1 [hbm4b:s0+s30], $0x1400, $0x38;
	[tilespmem:$0x1E400] =	vst v63  }
0x52: {  	_ =	swait.ge @!p1 [sflag:s5], $0x1400  }
0x53: {  	[sflag:s5] =	ssyncset.done @!p1 $0x0  }
.Ltmp0:
0x54: {  	s29 =	sshll.u32 s28, $0x8;
	[sflag:s5] =	ssyncadd.s32 @!p1 $0xFFFFEC00;
	(pc) =	sbr.rel @p0 .LBB2_2-.Ltmp0, $4  }
0x55: {  	[tilespmem:s18], [sflag:$0x1] =	stream.indirect.gather [hbm4b:s1+s17], $0x80, s29, s17, $0xb8;
	[tilespmem:$0x1E400] =	vst v63  }
0x56: {  	s31 =	sadd.s32 $0x1400, s29;
	_ =	swait.ge [sflag:s19], $0x4000  }
0x57: {  	s30 =	sadd.s32 $0x14, s25;
	[sflag:s19] =	ssyncset.done $0x0  }
0x58: {  	p2 =	seq.s32 s28, $0x0;
	p1 =	slt.u32 s30, s25;
	[sflag:s19] =	ssyncadd.s32 $0xFFFFC000  }
0x59: {  	s0 =	simm.s32 @!p2 $0x3  }
0x5a: {  	[spmem:s4] =	stream.indirect.scatter.add.f32 [tilespmem:s18], [sflag:$0x2], $0x80, s31, s17, $0xb8;
	[tilespmem:$0x1E400] =	vst v63  }
0x5b: {  	_ =	swait.ge @!p2 [sflag:s0], $0x4000  }
0x5c: {  	[sflag:s0] =	ssyncset.done @!p2 $0x0  }
0x5d: {  	s5 =	sor.u32 $0x80, s29;
	[sflag:s0] =	ssyncadd.s32 @!p2 $0xFFFFC000  }
0x5e: {  	[tilespmem:s20], [sflag:$0x1] =	stream.indirect.gather [hbm4b:s1+s17], $0x80, s5, s17, $0xb8;
	[tilespmem:$0x1E400] =	vst v63  }
0x5f: {  	s25 =	smov.u32 @p1 s30;
	_ =	swait.ge [sflag:s19], $0x4000  }
0x60: {  	p0 =	sne.s32 s25, $0x0;
	[sflag:s19] =	ssyncset.done $0x0  }
0x61: {  	s28 =	sadd.s32 $0x1480, s29;
	p1 =	sgt.u32 @!p0 s30, $0x13;
	[sflag:s19] =	ssyncadd.s32 $0xFFFFC000  }
0x62: {  	[spmem:s4] =	stream.indirect.scatter.add.f32 [tilespmem:s20], [sflag:$0x3], $0x80, s28, s17, $0xb8;
	[tilespmem:$0x1E400] =	vst v63  }
0x63: {  	p1 =	por !p1, p0;
	s0 =	simm.s32 @!p0 $0x1400;
	_ =	swait.ge [sflag:s22], $0x4000  }
0x64: {  	s0 =	simm.s32 @p1 $0x0;
	[sflag:s22] =	ssyncset.done $0x0  }
0x65: {  	s5 =	simm.s32 @!p0 $0x3;
	s0 =	sadd.s32 @!p0 s8, s0;
	[sflag:s22] =	ssyncadd.s32 $0xFFFFC000  }
0x66: {  	s0 =	sshrl.u32 @!p0 s0, $0x3;
	_ =	swait.ge @!p0 [sflag:s5], $0x4000  }
0x67: {  	s26 =	sadd.s32 @!p0 s2, s0;
	[sflag:s5] =	ssyncset.done @!p0 $0x0  }
0x68: {  	s28 =	simm.s32 @!p0 $0x4;
	[sflag:s5] =	ssyncadd.s32 @!p0 $0xFFFFC000;
	s5 =	simm.s32 @!p0 $0x0  }
0x69: {  	[tilespmem:s5], [sflag:$0x4] =	stream.linear.gather @!p0 [hbm4b:s26+s5], $0x1400, $0x38;
	[tilespmem:$0x1E400] =	vst v63  }
0x6a: {  	_ =	swait.ge @!p0 [sflag:s28], $0x1400  }
0x6b: {  	[sflag:s28] =	ssyncset.done @!p0 $0x0  }
0x6c: {  	s0 =	sadd.s32 @!p0 s3, s0;
	s26 =	simm.s32 @!p0 $0x1400;
	[sflag:s28] =	ssyncadd.s32 @!p0 $0xFFFFEC00  }
0x6d: {  	[tilespmem:s26], [sflag:$0x4] =	stream.linear.gather @!p0 [hbm4b:s0+s5], $0x1400, $0x38;
	[tilespmem:$0x1E400] =	vst v63  }
0x6e: {  	_ =	swait.ge @!p0 [sflag:s28], $0x1400  }
0x6f: {  	[sflag:s28] =	ssyncset.done @!p0 $0x0  }
0x70: {  	s29 =	sshll.u32 s25, $0x8;
	[sflag:s28] =	ssyncadd.s32 @!p0 $0xFFFFEC00  }
0x71: {  	[tilespmem:s18], [sflag:$0x1] =	stream.indirect.gather [hbm4b:s1+s17], $0x80, s29, s17, $0xb8;
	[tilespmem:$0x1E400] =	vst v63  }
0x72: {  	_ =	swait.ge [sflag:s19], $0x4000  }
0x73: {  	p0 =	seq.s32 s25, $0x0;
	[sflag:s19] =	ssyncset.done $0x0  }
0x74: {  	s30 =	sadd.s32 $0x1400, s29;
	s25 =	simm.s32 @!p0 $0x3;
	[sflag:s19] =	ssyncadd.s32 $0xFFFFC000  }
0x75: {  	[spmem:s4] =	stream.indirect.scatter.add.f32 [tilespmem:s18], [sflag:$0x2], $0x80, s30, s17, $0xb8;
	[tilespmem:$0x1E400] =	vst v63  }
0x76: {  	_ =	swait.ge @!p0 [sflag:s25], $0x4000  }
0x77: {  	[sflag:s25] =	ssyncset.done @!p0 $0x0  }
0x78: {  	s31 =	sor.u32 $0x80, s29;
	[sflag:s25] =	ssyncadd.s32 @!p0 $0xFFFFC000  }
0x79: {  	[tilespmem:s20], [sflag:$0x1] =	stream.indirect.gather [hbm4b:s1+s17], $0x80, s31, s17, $0xb8;
	[tilespmem:$0x1E400] =	vst v63  }
0x7a: {  	_ =	swait.ge [sflag:s19], $0x4000  }
0x7b: {  	[sflag:s19] =	ssyncset.done $0x0  }
0x7c: {  	s0 =	sadd.s32 $0x1480, s29;
	[sflag:s19] =	ssyncadd.s32 $0xFFFFC000  }
0x7d: {  	[spmem:s4] =	stream.indirect.scatter.add.f32 [tilespmem:s20], [sflag:$0x3], $0x80, s0, s17, $0xb8;
	[tilespmem:$0x1E400] =	vst v63  }
0x7e: {  	_ =	swait.ge [sflag:s22], $0x4000  }
0x7f: {  	[sflag:s22] =	ssyncset.done $0x0  }
0x80: {  	[sflag:s22] =	ssyncadd.s32 $0xFFFFC000  }
0x81: {  	_ =	swait.ge [sflag:s23], $0x4000  }
0x82: {  	s24 =	sadd.s32 $0x1, s24;
	[sflag:s23] =	ssyncset.done $0x0  }
0x83: {  	p0 =	sne.s32 s24, s12;
	[sflag:s23] =	ssyncadd.s32 $0xFFFFC000  }
.Ltmp1:
0x84: {  	[bflag:$0x0] =	sbarrier.arrive $0xFFFF;
	(pc) =	sbr.rel @p0 .LBB2_1-.Ltmp1, $4  }
0x85: {  	[hbm:s11], [sflag:s15] =	dma.local [spmem:s16], $0x2780  }
0x86: {  	_ =	swait.ge [sflag:s13], $0x2780  }
0x87: {  	[sflag:s13] =	ssyncset.done $0x0  }
0x88: {  	[sflag:s13] =	ssyncadd.s32 $0xFFFFD880  }
0x89: {  	_ =	sfence.sel $0x180000  }
0x8a: {  	[bflag:$0x0] =	sbarrier.arrive $0xFFFF  }
0x8b: {  	_ =	strace $0x90000047  }
0x8c: {  	s0 =	stileid.u32;
	[bflag:$0x2] =	sbarrier.arrive $0xFFFF  }
0x8d: {  	p0 =	sne.s32 s0, $0x0;
	s0 =	rddreg [dreg:$0x4]  }
0x8e: {  	s0 =	sadd.s32 @!p0 $0x100000, s0  }
0x8f: {  	[sflag:s0] =	ssyncadd.tile.s32 @!p0 $0x1;
	_ =	shalt  }
.Lfunc_end2:
_tile_overlayer_lowered:
.L_overlay_start_2:
0x90: {  	(tag) =	ssettag $0x2  }
0x91: {  	s0 =	rddreg [dreg:$0x0];
	s2 =	stileid.u32  }
0x92: {  	s1 =	rddreg [dreg:$0x1];
	p0 =	sne.s32 s2, $0x0  }
0x93: {  	s3 =	rddreg [dreg:$0x2];
	[bflag:$0x3] =	sbarrier.arrive $0xFFFF;
	s2 =	simm.s32 @!p0 $0x1C04  }
0x94: {  	[timem:s3], [sflag:s2] =	dma.local @!p0 [hbm:s0], s1  }
0x95: {  	s0 =	simm.s32 @!p0 $0x4  }
0x96: {  	_ =	swait.ge @!p0 [sflag:s0], s1  }
0x97: {  	s1 =	ssub.s32 @!p0 $0x0, s1;
	[sflag:s0] =	ssyncset.done @!p0 $0x0  }
0x98: {  	[sflag:s0] =	ssyncadd.s32 @!p0 s1  }
0x99: {  	[bflag:$0x3] =	sbarrier.arrive $0xFFFF  }
0x9a: {  	_ =	shalt  }

</sc_bundles>
